<compile_context>
chip_gen: v7x
topology: tpu7x:2x2x1
jax: 0.10.2.dev20260603
libtpu: 0.0.44.dev20260713+nightly
codegen_flags: <defaults>
</compile_context>

<pallas_src>
import functools

import jax
import jax.numpy as jnp
from jax import lax
from jax.experimental import pallas as pl
from jax.experimental.pallas import tpu as pltpu
from jax.experimental.pallas import tpu_sc as plsc

B, H = 128, 1024

NC, NS = 2, 16
NW_USED = 16
ROWS = B // NW_USED


@functools.cache
def _make_sc_gather():
    mesh = plsc.VectorSubcoreMesh(core_axis_name="c", subcore_axis_name="s")

    @functools.partial(
        pl.kernel,
        mesh=mesh,
        out_type=jax.ShapeDtypeStruct((B, H), jnp.float32),
        scratch_types=[
            pltpu.VMEM((ROWS,), jnp.int32),
            pltpu.VMEM((ROWS, H), jnp.float32),
            pltpu.SemaphoreType.DMA,
        ],
    )
    def _sc_gather(table_hbm, idx_hbm, out_hbm, idx_v, rows_v, sem):
        wid = lax.axis_index("s") * NC + lax.axis_index("c")

        @pl.when(wid < NW_USED)
        def _():
            base = wid * ROWS
            pltpu.sync_copy(idx_hbm.at[pl.ds(base, ROWS)], idx_v)
            pltpu.async_copy(table_hbm.at[idx_v], rows_v, sem).wait()
            pltpu.sync_copy(rows_v, out_hbm.at[pl.ds(base, ROWS)])

    return _sc_gather


G1 = 4
HB1 = 4 * H // G1

_dn = (((1,), (1,)), ((), ()))


def _hh_body(h0_ref, whh_ref, bih_ref, bhh_ref, acc_out):
    acc = lax.dot_general(h0_ref[...], whh_ref[...], _dn,
                          preferred_element_type=jnp.float32)
    acc_out[...] = acc + bih_ref[...] + bhh_ref[...]


_hh_part = pl.pallas_call(
    _hh_body,
    grid=(G1,),
    in_specs=[
        pl.BlockSpec((B, H), lambda k: (0, 0)),
        pl.BlockSpec((HB1, H), lambda k: (k, 0)),
        pl.BlockSpec((1, HB1), lambda k: (0, k)),
        pl.BlockSpec((1, HB1), lambda k: (0, k)),
    ],
    out_specs=pl.BlockSpec((B, HB1), lambda k: (0, k)),
    out_shape=jax.ShapeDtypeStruct((B, 4 * H), jnp.float32),
    compiler_params=pltpu.CompilerParams(dimension_semantics=("arbitrary",)),
)


G2 = 8
HB2 = 4 * H // G2


def _ih_body(emb_ref, c0_ref, wih_ref, acc_ref, h_out, c_out, act_ref):
    k = pl.program_id(0)
    pre = lax.dot_general(emb_ref[...], wih_ref[...], _dn,
                          preferred_element_type=jnp.float32)
    pre += acc_ref[...]
    quarter = k // (G2 // 4)
    act = jnp.where(quarter == 2, jnp.tanh(pre), jax.nn.sigmoid(pre))
    act_ref[:, pl.ds(k * HB2, HB2)] = act

    @pl.when(k == G2 - 1)
    def _():
        i = act_ref[:, 0:H]
        f = act_ref[:, H:2 * H]
        g = act_ref[:, 2 * H:3 * H]
        o = act_ref[:, 3 * H:4 * H]
        c = f * c0_ref[...] + i * g
        c_out[...] = c
        h_out[...] = o * jnp.tanh(c)


_ih_part = pl.pallas_call(
    _ih_body,
    grid=(G2,),
    in_specs=[
        pl.BlockSpec((B, H), lambda k: (0, 0)),
        pl.BlockSpec((B, H), lambda k: (0, 0)),
        pl.BlockSpec((HB2, H), lambda k: (k, 0)),
        pl.BlockSpec((B, HB2), lambda k: (0, k)),
    ],
    out_specs=[
        pl.BlockSpec((B, H), lambda k: (0, 0)),
        pl.BlockSpec((B, H), lambda k: (0, 0)),
    ],
    out_shape=[
        jax.ShapeDtypeStruct((B, H), jnp.float32),
        jax.ShapeDtypeStruct((B, H), jnp.float32),
    ],
    scratch_shapes=[pltpu.VMEM((B, 4 * H), jnp.float32)],
    compiler_params=pltpu.CompilerParams(dimension_semantics=("arbitrary",)),
)


def kernel(x, hidden, cell, table, W_ih, W_hh, b_ih, b_hh):
    emb = _make_sc_gather()(table, x)
    acc = _hh_part(hidden[0], W_hh,
                   b_ih.reshape(1, 4 * H), b_hh.reshape(1, 4 * H))
    h, c = _ih_part(emb, cell[0], W_ih, acc)
    return (h[None], h[None], c[None])

# --- scband reference (transcript-rebuilt; emitter-appended) ---
"""Pipeline reference for scband-encoder-rnn-7687991460259 (READ-ONLY COPY).

The authoritative reference and input builder live on the scoring server;
editing this copy changes nothing except your own understanding.
"""

import jax, jax.numpy as jnp
import numpy as np

B, H, V = 128, 1024, 100000

def setup_inputs(seed: int = 0) -> dict:
    key = jax.random.key(seed)
    ks = jax.random.split(key, 8)
    x = jax.random.randint(ks[0], (B,), 0, V, dtype=jnp.int32)
    hidden = jax.random.normal(ks[1], (1, B, H), dtype=jnp.float32)
    cell = jax.random.normal(ks[2], (1, B, H), dtype=jnp.float32)
    table = jax.random.normal(ks[3], (V, H), dtype=jnp.float32) * 0.02
    s = 1.0 / np.sqrt(H)
    W_ih = jax.random.uniform(ks[4], (4 * H, H), dtype=jnp.float32, minval=-s, maxval=s)
    W_hh = jax.random.uniform(ks[5], (4 * H, H), dtype=jnp.float32, minval=-s, maxval=s)
    b_ih = jax.random.uniform(ks[6], (4 * H,), dtype=jnp.float32, minval=-s, maxval=s)
    b_hh = jax.random.uniform(ks[7], (4 * H,), dtype=jnp.float32, minval=-s, maxval=s)
    return {"x": x, "hidden": hidden, "cell": cell, "table": table, "W_ih": W_ih, "W_hh": W_hh, "b_ih": b_ih, "b_hh": b_hh}


def reference(x, hidden, cell, table, W_ih, W_hh, b_ih, b_hh):
    # embedding lookup (SparseCore gather)
    emb = jnp.take(table, x, axis=0)  # [B, H]
    h0 = hidden[0]  # [B, H]
    c0 = cell[0]    # [B, H]
    # single-step LSTM (seq_len = 1 after unsqueeze(0))
    gates = emb @ W_ih.T + b_ih + h0 @ W_hh.T + b_hh  # [B, 4H]
    i_g, f_g, g_g, o_g = jnp.split(gates, 4, axis=-1)  # PyTorch gate order: i, f, g, o
    i = jax.nn.sigmoid(i_g)
    f = jax.nn.sigmoid(f_g)
    g = jnp.tanh(g_g)
    o = jax.nn.sigmoid(o_g)
    c = f * c0 + i * g
    h = o * jnp.tanh(c)
    output = h[None, :, :]   # [1, B, H]
    hidden_out = h[None, :, :]
    cell_out = c[None, :, :]
    return (output, hidden_out, cell_out)

if __name__ == "__main__":
    import jax
    _d = setup_inputs()
    print(jax.jit(kernel)(*tuple(_d.values())))

</pallas_src>

<mosaic_0001>
#map = affine_map<(d0, d1) -> (0, 0)>
#map1 = affine_map<(d0, d1) -> (0)>
module attributes {stable_mosaic.version = 14 : i64} {
  func.func @_sc_gather(%arg0: i32, %arg1: i32, %arg2: memref<100000x1024xf32, #tpu.memory_space<hbm>>, %arg3: memref<128xi32, #tpu.memory_space<hbm>>, %arg4: memref<128x1024xf32, #tpu.memory_space<hbm>>, %arg5: memref<8xi32, #tpu.memory_space<vmem>>, %arg6: memref<8x1024xf32, #tpu.memory_space<vmem>>, %arg7: memref<!tpu.dma_semaphore, #tpu.memory_space<semaphore_mem>>) attributes {dimension_semantics = [#tpu.dimension_semantics<core_parallel>, #tpu.dimension_semantics<subcore_parallel>], iteration_bounds = array<i64: 2, 16>, scalar_prefetch = 0 : i64, scratch_operands = 3 : i64, tpu.core_type = #tpu.core_type<sc_vector_subcore>, window_params = [{transform_indices = #map}, {transform_indices = #map1}, {transform_indices = #map}]} {
    %mul3A = arith.constant 2 : i32
    %mul3A_0 = arith.muli %arg1, %mul3A : i32
    %add3A = arith.addi %mul3A_0, %arg0 : i32
    %lt3A = arith.constant 16 : i32
    %lt3A_1 = arith.cmpi slt, %add3A, %lt3A : i32
    %convert_element_type3A = arith.extui %lt3A_1 : i1 to i32
    %cond3A = arith.constant 0 : i32
    %cond3A_2 = arith.cmpi ne, %convert_element_type3A, %cond3A : i32
    scf.if %cond3A_2 {
      %mul3A_3 = arith.constant 8 : i32
      %mul3A_4 = arith.muli %add3A, %mul3A_3 : i32
      "tpu.region"() ({
        %run_scoped3A = tpu.sem_alloc : memref<!tpu.dma_semaphore, #tpu.memory_space<semaphore_mem>>
        %dma_start3A_9 = tpu.memref_slice %arg3[%mul3A_4] : memref<128xi32, #tpu.memory_space<hbm>> -> memref<8xi32, #tpu.memory_space<hbm>>
        %dma_start3A_10 = tpu.memref_slice %arg3[%mul3A_4] : memref<128xi32, #tpu.memory_space<hbm>> -> memref<8xi32, #tpu.memory_space<hbm>>
        tpu.enqueue_dma source(%dma_start3A_10 : memref<8xi32, #tpu.memory_space<hbm>>) target(%arg5 : memref<8xi32, #tpu.memory_space<vmem>>) target_semaphore(%run_scoped3A : memref<!tpu.dma_semaphore, #tpu.memory_space<semaphore_mem>>)
        %dma_wait3A_11 = tpu.memref_slice %arg3[%mul3A_4] : memref<128xi32, #tpu.memory_space<hbm>> -> memref<8xi32, #tpu.memory_space<hbm>>
        %dma_wait3A_12 = tpu.memref_slice %arg3[%mul3A_4] : memref<128xi32, #tpu.memory_space<hbm>> -> memref<8xi32, #tpu.memory_space<hbm>>
        tpu.wait_dma2 semaphore(%run_scoped3A : memref<!tpu.dma_semaphore, #tpu.memory_space<semaphore_mem>>) src(%dma_wait3A_12 : memref<8xi32, #tpu.memory_space<hbm>>) dst(%arg5 : memref<8xi32, #tpu.memory_space<vmem>>)
        tpu.yield
      }) : () -> ()
      %dma_start3A = arith.constant 0 : i32
      %dma_start3A_5 = arith.constant 0 : i32
      %dma_start3A_6 = tpu.memref_slice %arg2[%dma_start3A, %dma_start3A_5] : memref<100000x1024xf32, #tpu.memory_space<hbm>> -> memref<100000x1024xf32, #tpu.memory_space<hbm>>
      tpu.enqueue_indirect_dma source(%dma_start3A_6 : memref<100000x1024xf32, #tpu.memory_space<hbm>>) target(%arg6 : memref<8x1024xf32, #tpu.memory_space<vmem>>) offsets(%arg5 : memref<8xi32, #tpu.memory_space<vmem>>) semaphore(%arg7 : memref<!tpu.dma_semaphore, #tpu.memory_space<semaphore_mem>>)
      %dma_wait3A = arith.constant 0 : i32
      %dma_wait3A_7 = arith.constant 0 : i32
      %dma_wait3A_8 = tpu.memref_slice %arg2[%dma_wait3A, %dma_wait3A_7] : memref<100000x1024xf32, #tpu.memory_space<hbm>> -> memref<100000x1024xf32, #tpu.memory_space<hbm>>
      tpu.wait_indirect_dma semaphore(%arg7 : memref<!tpu.dma_semaphore, #tpu.memory_space<semaphore_mem>>) src(%dma_wait3A_8 : memref<100000x1024xf32, #tpu.memory_space<hbm>>) dst(%arg6 : memref<8x1024xf32, #tpu.memory_space<vmem>>)
      "tpu.region"() ({
        %run_scoped3A = tpu.sem_alloc : memref<!tpu.dma_semaphore, #tpu.memory_space<semaphore_mem>>
        %dma_start3A_9 = arith.constant 0 : i32
        %dma_start3A_10 = tpu.memref_slice %arg4[%mul3A_4, %dma_start3A_9] : memref<128x1024xf32, #tpu.memory_space<hbm>> -> memref<8x1024xf32, #tpu.memory_space<hbm>>
        %dma_start3A_11 = arith.constant 0 : i32
        %dma_start3A_12 = tpu.memref_slice %arg4[%mul3A_4, %dma_start3A_11] : memref<128x1024xf32, #tpu.memory_space<hbm>> -> memref<8x1024xf32, #tpu.memory_space<hbm>>
        tpu.enqueue_dma source(%arg6 : memref<8x1024xf32, #tpu.memory_space<vmem>>) target(%dma_start3A_12 : memref<8x1024xf32, #tpu.memory_space<hbm>>) target_semaphore(%run_scoped3A : memref<!tpu.dma_semaphore, #tpu.memory_space<semaphore_mem>>)
        %dma_wait3A_13 = arith.constant 0 : i32
        %dma_wait3A_14 = tpu.memref_slice %arg4[%mul3A_4, %dma_wait3A_13] : memref<128x1024xf32, #tpu.memory_space<hbm>> -> memref<8x1024xf32, #tpu.memory_space<hbm>>
        %dma_wait3A_15 = arith.constant 0 : i32
        %dma_wait3A_16 = tpu.memref_slice %arg4[%mul3A_4, %dma_wait3A_15] : memref<128x1024xf32, #tpu.memory_space<hbm>> -> memref<8x1024xf32, #tpu.memory_space<hbm>>
        tpu.wait_dma2 semaphore(%run_scoped3A : memref<!tpu.dma_semaphore, #tpu.memory_space<semaphore_mem>>) src(%arg6 : memref<8x1024xf32, #tpu.memory_space<vmem>>) dst(%dma_wait3A_16 : memref<8x1024xf32, #tpu.memory_space<hbm>>)
        tpu.yield
      }) : () -> ()
    } else {
    }
    return
  }
}

module attributes {stable_mosaic.version = 14 : i64} {
  func.func @_ih_body(%arg0: i32, %arg1: memref<128x1024xf32, #tpu.memory_space<vmem>>, %arg2: memref<128x1024xf32, #tpu.memory_space<vmem>>, %arg3: memref<512x1024xf32, #tpu.memory_space<vmem>>, %arg4: memref<128x512xf32, #tpu.memory_space<vmem>>, %arg5: memref<128x1024xf32, #tpu.memory_space<vmem>>, %arg6: memref<128x1024xf32, #tpu.memory_space<vmem>>, %arg7: memref<128x4096xf32, #tpu.memory_space<vmem>>) attributes {dimension_semantics = [#tpu.dimension_semantics<arbitrary>], iteration_bounds = array<i64: 8>, scalar_prefetch = 0 : i64, scratch_operands = 1 : i64, tpu.core_type = #tpu.core_type<tc>, window_params = [{pipeline_mode = #tpu.pipeline_mode<synchronous>, transform_indices = @transform_0, window_bounds = array<i64: 128, 1024>}, {pipeline_mode = #tpu.pipeline_mode<synchronous>, transform_indices = @transform_1, window_bounds = array<i64: 128, 1024>}, {transform_indices = @transform_2, window_bounds = array<i64: 512, 1024>}, {transform_indices = @transform_3, window_bounds = array<i64: 128, 512>}, {pipeline_mode = #tpu.pipeline_mode<synchronous>, transform_indices = @transform_4, window_bounds = array<i64: 128, 1024>}, {pipeline_mode = #tpu.pipeline_mode<synchronous>, transform_indices = @transform_5, window_bounds = array<i64: 128, 1024>}]} {
    %get3A = arith.constant 0 : index
    %get3A_0 = arith.constant 0 : index
    %get3A_1 = vector.load %arg1[%get3A, %get3A_0] : memref<128x1024xf32, #tpu.memory_space<vmem>>, vector<128x1024xf32>
    %get3A_2 = arith.constant 0 : index
    %get3A_3 = arith.constant 0 : index
    %get3A_4 = vector.load %arg3[%get3A_2, %get3A_3] : memref<512x1024xf32, #tpu.memory_space<vmem>>, vector<512x1024xf32>
    %dot_general3A = arith.constant dense<0.000000e+00> : vector<128x512xf32>
    %dot_general3A_5 = tpu.matmul %get3A_1, %get3A_4, %dot_general3A {dimension_numbers = #tpu.dot_dimension_numbers<[1], [1], [0], [0], [0, 0, 1, 0], [], []>, transpose_lhs_hint = false} : vector<128x1024xf32>, vector<512x1024xf32>, vector<128x512xf32> -> vector<128x512xf32>
    %get3A_6 = arith.constant 0 : index
    %get3A_7 = arith.constant 0 : index
    %get3A_8 = vector.load %arg4[%get3A_6, %get3A_7] : memref<128x512xf32, #tpu.memory_space<vmem>>, vector<128x512xf32>
    %add3A = arith.addf %dot_general3A_5, %get3A_8 : vector<128x512xf32>
    %jit3A = arith.constant 2 : i32
    %div3A = arith.divsi %arg0, %jit3A : i32
    %sign3A = arith.constant 0 : i32
    %sign3A_9 = arith.cmpi sgt, %arg0, %sign3A : i32
    %sign3A_10 = arith.extui %sign3A_9 : i1 to i32
    %sign3A_11 = arith.constant 0 : i32
    %sign3A_12 = arith.cmpi slt, %arg0, %sign3A_11 : i32
    %sign3A_13 = arith.extui %sign3A_12 : i1 to i32
    %sign3A_14 = arith.subi %sign3A_10, %sign3A_13 : i32
    %sign3A_15 = arith.constant 0 : i32
    %sign3A_16 = arith.cmpi sgt, %jit3A, %sign3A_15 : i32
    %sign3A_17 = arith.extui %sign3A_16 : i1 to i32
    %sign3A_18 = arith.constant 0 : i32
    %sign3A_19 = arith.cmpi slt, %jit3A, %sign3A_18 : i32
    %sign3A_20 = arith.extui %sign3A_19 : i1 to i32
    %sign3A_21 = arith.subi %sign3A_17, %sign3A_20 : i32
    %ne3A = arith.cmpi ne, %sign3A_14, %sign3A_21 : i32
    %rem3A = arith.remsi %arg0, %jit3A : i32
    %ne3A_22 = arith.constant 0 : i32
    %ne3A_23 = arith.cmpi ne, %rem3A, %ne3A_22 : i32
    %and3A = arith.andi %ne3A, %ne3A_23 : i1
    %sub3A = arith.constant 1 : i32
    %sub3A_24 = arith.subi %div3A, %sub3A : i32
    %select_n3A = arith.select %and3A, %sub3A_24, %div3A : i32
    %eq3A = arith.constant 2 : i32
    %eq3A_25 = arith.cmpi eq, %select_n3A, %eq3A : i32
    %tanh3A = math.tanh %add3A : vector<128x512xf32>
    %logistic3A = arith.negf %add3A : vector<128x512xf32>
    %logistic3A_26 = math.exp %logistic3A : vector<128x512xf32>
    %logistic3A_27 = arith.constant 1.000000e+00 : f32
    %logistic3A_28 = vector.broadcast %logistic3A_27 : f32 to vector<128x512xf32>
    %logistic3A_29 = arith.addf %logistic3A_28, %logistic3A_26 : vector<128x512xf32>
    %logistic3A_30 = arith.divf %logistic3A_28, %logistic3A_29 : vector<128x512xf32>
    %select_n3A_31 = arith.select %eq3A_25, %tanh3A, %logistic3A_30 : vector<128x512xf32>
    %mul3A = arith.constant 512 : i32
    %mul3A_32 = arith.muli %arg0, %mul3A : i32
    %swap3A = arith.constant 0 : index
    %swap3A_33 = arith.index_cast %mul3A_32 : i32 to index
    %swap3A_34 = vector.load %arg7[%swap3A, %swap3A_33] : memref<128x4096xf32, #tpu.memory_space<vmem>>, vector<128x512xf32>
    tpu.vector_store %arg7[%swap3A, %swap3A_33], %select_n3A_31 {strides = array<i32>} : memref<128x4096xf32, #tpu.memory_space<vmem>>, vector<128x512xf32>,
    %eq3A_35 = arith.constant 7 : i32
    %eq3A_36 = arith.cmpi eq, %arg0, %eq3A_35 : i32
    %convert_element_type3A = arith.extui %eq3A_36 : i1 to i32
    %cond3A = arith.constant 0 : i32
    %cond3A_37 = arith.cmpi ne, %convert_element_type3A, %cond3A : i32
    scf.if %cond3A_37 {
      %get3A_38 = arith.constant 0 : index
      %get3A_39 = arith.constant 0 : index
      %get3A_40 = vector.load %arg7[%get3A_38, %get3A_39] : memref<128x4096xf32, #tpu.memory_space<vmem>>, vector<128x1024xf32>
      %get3A_41 = arith.constant 0 : index
      %get3A_42 = arith.constant 1024 : index
      %get3A_43 = vector.load %arg7[%get3A_41, %get3A_42] : memref<128x4096xf32, #tpu.memory_space<vmem>>, vector<128x1024xf32>
      %get3A_44 = arith.constant 0 : index
      %get3A_45 = arith.constant 2048 : index
      %get3A_46 = vector.load %arg7[%get3A_44, %get3A_45] : memref<128x4096xf32, #tpu.memory_space<vmem>>, vector<128x1024xf32>
      %get3A_47 = arith.constant 0 : index
      %get3A_48 = arith.constant 3072 : index
      %get3A_49 = vector.load %arg7[%get3A_47, %get3A_48] : memref<128x4096xf32, #tpu.memory_space<vmem>>, vector<128x1024xf32>
      %get3A_50 = arith.constant 0 : index
      %get3A_51 = arith.constant 0 : index
      %get3A_52 = vector.load %arg2[%get3A_50, %get3A_51] : memref<128x1024xf32, #tpu.memory_space<vmem>>, vector<128x1024xf32>
      %mul3A_53 = arith.mulf %get3A_43, %get3A_52 : vector<128x1024xf32>
      %mul3A_54 = arith.mulf %get3A_40, %get3A_46 : vector<128x1024xf32>
      %add3A_55 = arith.addf %mul3A_53, %mul3A_54 : vector<128x1024xf32>
      %swap3A_56 = arith.constant 0 : index
      %swap3A_57 = arith.constant 0 : index
      %swap3A_58 = vector.load %arg6[%swap3A_56, %swap3A_57] : memref<128x1024xf32, #tpu.memory_space<vmem>>, vector<128x1024xf32>
      tpu.vector_store %arg6[%swap3A_56, %swap3A_57], %add3A_55 {strides = array<i32>} : memref<128x1024xf32, #tpu.memory_space<vmem>>, vector<128x1024xf32>,
      %tanh3A_59 = math.tanh %add3A_55 : vector<128x1024xf32>
      %mul3A_60 = arith.mulf %get3A_49, %tanh3A_59 : vector<128x1024xf32>
      %swap3A_61 = arith.constant 0 : index
      %swap3A_62 = arith.constant 0 : index
      %swap3A_63 = vector.load %arg5[%swap3A_61, %swap3A_62] : memref<128x1024xf32, #tpu.memory_space<vmem>>, vector<128x1024xf32>
      tpu.vector_store %arg5[%swap3A_61, %swap3A_62], %mul3A_60 {strides = array<i32>} : memref<128x1024xf32, #tpu.memory_space<vmem>>, vector<128x1024xf32>,
    } else {
    }
    return
  }
  func.func @transform_0(%arg0: i32) -> (i32, i32) {
    %c0_i32 = arith.constant 0 : i32
    %c0_i32_0 = arith.constant 0 : i32
    %c0_i32_1 = arith.constant 0 : i32
    return %c0_i32, %c0_i32_0 : i32, i32
  }
  func.func @transform_1(%arg0: i32) -> (i32, i32) {
    %c0_i32 = arith.constant 0 : i32
    %c0_i32_0 = arith.constant 0 : i32
    %c0_i32_1 = arith.constant 0 : i32
    return %c0_i32, %c0_i32_0 : i32, i32
  }
  func.func @transform_2(%arg0: i32) -> (i32, i32) {
    %c0_i32 = arith.constant 0 : i32
    %c0_i32_0 = arith.constant 0 : i32
    return %arg0, %c0_i32 : i32, i32
  }
  func.func @transform_3(%arg0: i32) -> (i32, i32) {
    %c0_i32 = arith.constant 0 : i32
    %c0_i32_0 = arith.constant 0 : i32
    return %c0_i32, %arg0 : i32, i32
  }
  func.func @transform_4(%arg0: i32) -> (i32, i32) {
    %c0_i32 = arith.constant 0 : i32
    %c0_i32_0 = arith.constant 0 : i32
    %c0_i32_1 = arith.constant 0 : i32
    return %c0_i32, %c0_i32_0 : i32, i32
  }
  func.func @transform_5(%arg0: i32) -> (i32, i32) {
    %c0_i32 = arith.constant 0 : i32
    %c0_i32_0 = arith.constant 0 : i32
    %c0_i32_1 = arith.constant 0 : i32
    return %c0_i32, %c0_i32_0 : i32, i32
  }
}

module attributes {stable_mosaic.version = 14 : i64} {
  func.func @_hh_body(%arg0: i32, %arg1: memref<128x1024xf32, #tpu.memory_space<vmem>>, %arg2: memref<1024x1024xf32, #tpu.memory_space<vmem>>, %arg3: memref<1x1024xf32, #tpu.memory_space<vmem>>, %arg4: memref<1x1024xf32, #tpu.memory_space<vmem>>, %arg5: memref<128x1024xf32, #tpu.memory_space<vmem>>) attributes {dimension_semantics = [#tpu.dimension_semantics<arbitrary>], iteration_bounds = array<i64: 4>, scalar_prefetch = 0 : i64, scratch_operands = 0 : i64, tpu.core_type = #tpu.core_type<tc>, window_params = [{pipeline_mode = #tpu.pipeline_mode<synchronous>, transform_indices = @transform_0, window_bounds = array<i64: 128, 1024>}, {transform_indices = @transform_1, window_bounds = array<i64: 1024, 1024>}, {transform_indices = @transform_2, window_bounds = array<i64: 1, 1024>}, {transform_indices = @transform_3, window_bounds = array<i64: 1, 1024>}, {transform_indices = @transform_4, window_bounds = array<i64: 128, 1024>}]} {
    %get3A = arith.constant 0 : index
    %get3A_0 = arith.constant 0 : index
    %get3A_1 = vector.load %arg1[%get3A, %get3A_0] : memref<128x1024xf32, #tpu.memory_space<vmem>>, vector<128x1024xf32>
    %get3A_2 = arith.constant 0 : index
    %get3A_3 = arith.constant 0 : index
    %get3A_4 = vector.load %arg2[%get3A_2, %get3A_3] : memref<1024x1024xf32, #tpu.memory_space<vmem>>, vector<1024x1024xf32>
    %dot_general3A = arith.constant dense<0.000000e+00> : vector<128x1024xf32>
    %dot_general3A_5 = tpu.matmul %get3A_1, %get3A_4, %dot_general3A {dimension_numbers = #tpu.dot_dimension_numbers<[1], [1], [0], [0], [0, 0, 1, 0], [], []>, transpose_lhs_hint = false} : vector<128x1024xf32>, vector<1024x1024xf32>, vector<128x1024xf32> -> vector<128x1024xf32>
    %get3A_6 = arith.constant 0 : index
    %get3A_7 = arith.constant 0 : index
    %get3A_8 = vector.load %arg3[%get3A_6, %get3A_7] : memref<1x1024xf32, #tpu.memory_space<vmem>>, vector<1x1024xf32>
    %add3A = vector.broadcast %get3A_8 : vector<1x1024xf32> to vector<128x1024xf32>
    %add3A_9 = arith.addf %dot_general3A_5, %add3A : vector<128x1024xf32>
    %get3A_10 = arith.constant 0 : index
    %get3A_11 = arith.constant 0 : index
    %get3A_12 = vector.load %arg4[%get3A_10, %get3A_11] : memref<1x1024xf32, #tpu.memory_space<vmem>>, vector<1x1024xf32>
    %add3A_13 = vector.broadcast %get3A_12 : vector<1x1024xf32> to vector<128x1024xf32>
    %add3A_14 = arith.addf %add3A_9, %add3A_13 : vector<128x1024xf32>
    %swap3A = arith.constant 0 : index
    %swap3A_15 = arith.constant 0 : index
    %swap3A_16 = vector.load %arg5[%swap3A, %swap3A_15] : memref<128x1024xf32, #tpu.memory_space<vmem>>, vector<128x1024xf32>
    tpu.vector_store %arg5[%swap3A, %swap3A_15], %add3A_14 {strides = array<i32>} : memref<128x1024xf32, #tpu.memory_space<vmem>>, vector<128x1024xf32>,
    return
  }
  func.func @transform_0(%arg0: i32) -> (i32, i32) {
    %c0_i32 = arith.constant 0 : i32
    %c0_i32_0 = arith.constant 0 : i32
    %c0_i32_1 = arith.constant 0 : i32
    return %c0_i32, %c0_i32_0 : i32, i32
  }
  func.func @transform_1(%arg0: i32) -> (i32, i32) {
    %c0_i32 = arith.constant 0 : i32
    %c0_i32_0 = arith.constant 0 : i32
    return %arg0, %c0_i32 : i32, i32
  }
  func.func @transform_2(%arg0: i32) -> (i32, i32) {
    %c0_i32 = arith.constant 0 : i32
    %c0_i32_0 = arith.constant 0 : i32
    return %c0_i32, %arg0 : i32, i32
  }
  func.func @transform_3(%arg0: i32) -> (i32, i32) {
    %c0_i32 = arith.constant 0 : i32
    %c0_i32_0 = arith.constant 0 : i32
    return %c0_i32, %arg0 : i32, i32
  }
  func.func @transform_4(%arg0: i32) -> (i32, i32) {
    %c0_i32 = arith.constant 0 : i32
    %c0_i32_0 = arith.constant 0 : i32
    return %c0_i32, %arg0 : i32, i32
  }
}

</mosaic_0001>

<sc_bundles>
// kernel: kernel.5.cloned.1.call-start
scs
__scs_entry_jumppad:
0x0: {  	(pc) =	sbr.rel $0x88, $3  }
0x1: {  	(tag) =	ssettag $0x0;
	lr =	simm.s32 $0x1  }
0x2: {  	[smem:$0x3F99] =	sst lr;
	_ =	strace $0xD0000000  }
0x3: {  	_ = 	snop  }
0x4: {  	_ = 	snop  }
0x5: {  	_ = 	snop  }
0x6: {  	_ = 	snop  }
0x7: {  	_ = 	snop  }
__scs_overlays_trampoline_lowered:
0x8: {  	[smem:$0x3FA8] =	sst s0  }
0x9: {  	[smem:$0x3FA9] =	sst s1  }
0xa: {  	[smem:$0x3FAA] =	sst s2  }
0xb: {  	[smem:$0x3FAB] =	sst s3  }
0xc: {  	[smem:$0x3FAC] =	sst s4  }
0xd: {  	[smem:$0x3FAD] =	sst s5  }
0xe: {  	[smem:$0x3FAE] =	sst s6  }
0xf: {  	[smem:$0x3FAF] =	sst s7  }
0x10: {  	[smem:$0x3FB0] =	sst s8  }
0x11: {  	[smem:$0x3FB1] =	sst s9;
	s0 =	simm.s32 @!p0 $0x0  }
0x12: {  	s1 =	sld [smem:$0x3F97];
	s0 =	simm.s32 @p0 $0x1  }
0x13: {  	[smem:$0x3FB2] =	sst s0;
	s0 =	simm.s32 @!p1 $0x0  }
0x14: {  	s2 =	sld [smem:$0x3F96];
	s0 =	simm.s32 @p1 $0x1  }
0x15: {  	[smem:$0x3FB3] =	sst s0;
	s0 =	simm.s32 @!p2 $0x0  }
0x16: {  	s3 =	sld [smem:$0x3FDB];
	s0 =	simm.s32 @p2 $0x1  }
0x17: {  	s4 =	simm.s32 $0x1BF5;
	[smem:$0x3FB5] =	sst s0  }
0x18: {  	s0 =	sld [smem:$0x3F98];
	_ =	swait.ge [sflag:s4], $0x0  }
0x19: {  	s7 =	sld [smem:$0x3F99]  }
0x1a: {  	s8 =	sadd.s32 $0xFFFFE003, lr  }
0x1b: {  	s9 =	sadd.s32 $0xFFFFFEF7, lr;
	s5 =	simm.s32 $0xFFFFFFFF;
	p2 =	slt.u32 s8, $0xFFFFF086  }
0x1c: {  	p1 =	slt.u32 s9, $0xF7A;
	s5 =	simm.s32 @!p2 $0x0  }
0x1d: {  	s5 =	simm.s32 @p1 $0x1;
	p0 =	seq.s32 s7, s2  }
0x1e: {  	s7 =	smul.u32 @!p0 $0xF7A, s2;
	p2 =	seq.s32 @!p0 s5, $0x0  }
0x1f: {  	s9 =	smul.u32 $0xF7A, s1;
	s8 =	simm.s32 @!p0 $0x1BF5;
	p2 =	por !p2, p0  }
0x20: {  	[sflag:s8] =	ssyncset.s32 @!p0 $0xFFFFF086;
	s6 =	sadd.s32 @!p0 s3, s7;
	s7 =	simm.s32 @!p0 $0x108  }
0x21: {  	s3 =	sadd.s32 s3, s9;
	s6 =	sadd.s32 @!p0 $0x88, s6;
	s7 =	simm.s32 @p2 $0x1082  }
0x22: {  	[simem:s7], [sflag:s8] =	dma.local @!p0 [hbm:s6], $0xF7A  }
0x23: {  	s9 =	sor.u32 $0xD0000000, s2;
	s6 =	simm.s32 $0x108;
	_ =	swait.ge @!p0 [sflag:s8], $0x0  }
0x24: {  	s3 =	sadd.s32 $0x88, s3;
	s6 =	simm.s32 @!p1 $0x1082;
	[sflag:s4] =	ssyncset.s32 $0xFFFFF086  }
0x25: {  	[simem:s6], [sflag:s4] =	dma.local [hbm:s3], $0xF7A  }
0x26: {  	[smem:$0x3F99] =	sst s1;
	(tag) =	ssettag s2;
	_ =	strace s9  }
0x27: {  	s1 =	sld [smem:$0x3FA9]  }
0x28: {  	s2 =	sld [smem:$0x3FAA]  }
0x29: {  	s4 =	sld [smem:$0x3FAC]  }
0x2a: {  	p0 =	seq.s32 s5, $0x0;
	s5 =	sld [smem:$0x3FAD]  }
0x2b: {  	s6 =	sld [smem:$0x3FAE]  }
0x2c: {  	s7 =	sld [smem:$0x3FAF]  }
0x2d: {  	s3 =	simm.s32 $0x108;
	s8 =	sld [smem:$0x3FB0]  }
0x2e: {  	s3 =	simm.s32 @!p0 $0x1082;
	s9 =	sld [smem:$0x3FB1]  }
0x2f: {  	lr =	sadd.s32 s0, s3;
	s0 =	sld [smem:$0x3FA8]  }
0x30: {  	s3 =	sld [smem:$0x3FAB]  }
0x31: {  	[smem:$0x3FB4] =	sst s10  }
0x32: {  	s10 =	sld [smem:$0x3FB2];
	_ =	sdelay $0x3  }
0x33: {  	p0 =	seq.s32 s10, $0x1;
	s10 =	sld [smem:$0x3FB4];
	_ =	sdelay $0x3  }
0x34: {  	[smem:$0x3FB4] =	sst s10  }
0x35: {  	s10 =	sld [smem:$0x3FB3];
	_ =	sdelay $0x3  }
0x36: {  	p1 =	seq.s32 s10, $0x1;
	s10 =	sld [smem:$0x3FB4];
	_ =	sdelay $0x3  }
0x37: {  	[smem:$0x3FB4] =	sst s10  }
0x38: {  	s10 =	sld [smem:$0x3FB5]  }
0x39: {  	_ = 	snop;
	(pc) =	sbr.ind lr, $3  }
0x3a: {  	_ = 	snop  }
0x3b: {  	_ = 	snop  }
0x3c: {  	p2 =	seq.s32 s10, $0x1;
	s10 =	sld [smem:$0x3FB4]  }
0x3d: {  	_ =	shalt  }
0x3e: {  	_ =	shalt  }
0x3f: {  	_ =	shalt  }
0x40: {  	_ =	shalt  }
0x41: {  	_ =	shalt  }
0x42: {  	_ =	shalt  }
0x43: {  	_ =	shalt  }
0x44: {  	_ =	shalt  }
0x45: {  	_ =	shalt  }
0x46: {  	_ =	shalt  }
0x47: {  	_ =	shalt  }
0x48: {  	_ =	shalt  }
0x49: {  	_ =	shalt  }
0x4a: {  	_ =	shalt  }
0x4b: {  	_ =	shalt  }
0x4c: {  	_ =	shalt  }
0x4d: {  	_ =	shalt  }
0x4e: {  	_ =	shalt  }
0x4f: {  	_ =	shalt  }
0x50: {  	_ =	shalt  }
0x51: {  	_ =	shalt  }
0x52: {  	_ =	shalt  }
0x53: {  	_ =	shalt  }
0x54: {  	_ =	shalt  }
0x55: {  	_ =	shalt  }
0x56: {  	_ =	shalt  }
0x57: {  	_ =	shalt  }
0x58: {  	_ =	shalt  }
0x59: {  	_ =	shalt  }
0x5a: {  	_ =	shalt  }
0x5b: {  	_ =	shalt  }
0x5c: {  	_ =	shalt  }
0x5d: {  	_ =	shalt  }
0x5e: {  	_ =	shalt  }
0x5f: {  	_ =	shalt  }
0x60: {  	_ =	shalt  }
0x61: {  	_ =	shalt  }
0x62: {  	_ =	shalt  }
0x63: {  	_ =	shalt  }
0x64: {  	_ =	shalt  }
0x65: {  	_ =	shalt  }
0x66: {  	_ =	shalt  }
0x67: {  	_ =	shalt  }
0x68: {  	_ =	shalt  }
0x69: {  	_ =	shalt  }
0x6a: {  	_ =	shalt  }
0x6b: {  	_ =	shalt  }
0x6c: {  	_ =	shalt  }
0x6d: {  	_ =	shalt  }
0x6e: {  	_ =	shalt  }
0x6f: {  	_ =	shalt  }
0x70: {  	_ =	shalt  }
0x71: {  	_ =	shalt  }
0x72: {  	_ =	shalt  }
0x73: {  	_ =	shalt  }
0x74: {  	_ =	shalt  }
0x75: {  	_ =	shalt  }
0x76: {  	_ =	shalt  }
0x77: {  	_ =	shalt  }
0x78: {  	_ =	shalt  }
0x79: {  	_ =	shalt  }
0x7a: {  	_ =	shalt  }
0x7b: {  	_ =	shalt  }
0x7c: {  	_ =	shalt  }
0x7d: {  	_ =	shalt  }
0x7e: {  	_ =	shalt  }
0x7f: {  	_ =	shalt  }
0x80: {  	_ =	shalt  }
0x81: {  	_ =	shalt  }
0x82: {  	_ =	shalt  }
0x83: {  	_ =	shalt  }
0x84: {  	_ =	shalt  }
0x85: {  	_ =	shalt  }
0x86: {  	_ =	shalt  }
0x87: {  	_ =	shalt  }
.Lfunc_end0:
.L_simem_size_0:
called_computation_lowered:
.L_overlay_start_0:
0x88: {  	s2 =	sld [smem:$0x3FD9]  }
0x89: {  	s3 =	sld [smem:$0x3FFE];
	_ =	sdelay $0x1  }
0x8a: {  	s1 =	srdreg.scid  }
0x8b: {  	s0 =	sand.u32 $0x1, s1  }
0x8c: {  	s15 =	sshll.u32 s0, $0xA;
	s2 =	sadd.s32 s3, s2  }
0x8d: {  	s2 =	sadd.s32 s2, s15  }
0x8e: {  	[smem:$0x3FC0] =	sst s2  }
0x8f: {  	_ = 	snop  }
0x90: {  	s2 =	sld [smem:$0x3FD0];
	_ =	sdelay $0x1  }
0x91: {  	s16 =	sld [smem:$0x3FC9]  }
0x92: {  	s5 =	simm.s32 $0xA;
	s6 =	simm.s32 $0x10;
	s4 =	sld [smem:$0x3FC6]  }
0x93: {  	[smem:s6], [sflag:s5] =	dma.local [hbm:s2], $0x1  }
0x94: {  	_ =	swait.eq [sflag:s5], $0x1  }
0x95: {  	[sflag:s5] =	ssyncset.done $0x0  }
0x96: {  	[sflag:s5] =	ssyncadd.s32 $0xFFFFFFFF  }
0x97: {  	s17 =	sld [smem:$0x11];
	(tm) =	ssettm $0x1  }
0x98: {  	s18 =	sld [smem:$0x3FFB];
	_ =	sdelay $0x3  }
0x99: {  	_ =	strace s18  }
0x9a: {  	s5 =	sld [smem:$0x3FFC];
	_ =	sdelay $0x3  }
0x9b: {  	_ =	strace s5  }
0x9c: {  	s5 =	sld [smem:$0x3FFD];
	_ =	sdelay $0x3  }
0x9d: {  	_ =	strace s5  }
0x9e: {  	_ =	strace $0x8FFFFFFF  }
0x9f: {  	s19 =	sld [smem:$0x3FDB];
	_ =	sdelay $0x1  }
0xa0: {  	s20 =	simm.s32 $_scs_section_size  }
0xa1: {  	s7 =	simm.s32 $_size__tile_overlayer_lowered;
	s8 =	simm.s32 $_tile_overlayer_lowered  }
0xa2: {  	s23 =	simm.s32 $0x1BFF;
	s22 =	sshll.u32 s8, $0x1;
	s5 =	sadd.s32 s20, s19  }
0xa3: {  	s9 =	simm.s32 $0x0;
	s21 =	sshll.u32 s7, $0x1;
	s7 =	sadd.s32 s22, s5  }
0xa4: {  	[timem:s9], [sflag:s23] =	dma.local [hbm:s7], s21  }
0xa5: {  	_ =	swait.ge [sflag:s23], s21  }
0xa6: {  	s6 =	ssub.s32 $0x0, s21;
	[sflag:s23] =	ssyncset.done $0x0  }
0xa7: {  	[sflag:s23] =	ssyncadd.s32 s6;
	_ =	sdelay $0x1  }
0xa8: {  	s24 =	simm.s32 $0x1B8B  }
0xa9: {  	_ =	swait.ge [sflag:s24], $0x1  }
0xaa: {  	[sflag:s24] =	ssyncset.done $0x0  }
0xab: {  	s25 =	simm.s32 $0x1B8E;
	[sflag:s24] =	ssyncadd.s32 $0xFFFFFFFF  }
0xac: {  	s26 =	simm.s32 $execute0_lowered;
	[smem:$0x3FD2] =	sst s25  }
0xad: {  	s6 =	sshll.u32 s26, $0x1;
	_ =	strace $0x80000046;
	[dreg:$0x1] =	wrdreg $0xFFFFFFFF  }
0xae: {  	s28 =	simm.s32 $_size_execute0_lowered;
	s5 =	sadd.s32 s5, s6;
	[dreg:$0x0] =	wrdreg $0x0  }
0xaf: {  	s6 =	sshll.u32 s28, $0x1;
	[dreg:$0x2] =	wrdreg s5  }
0xb0: {  	[dreg:$0x3] =	wrdreg s6  }
0xb1: {  	[dreg:$0x4] =	wrdreg $0xC0  }
0xb2: {  	_ =	task [dreg:s9], $0x5FFFF  }
0xb3: {  	[dreg:$0x1] =	wrdreg $0xFFFFFFFF  }
0xb4: {  	[dreg:$0x0] =	wrdreg $0x60  }
0xb5: {  	[dreg:$0x2] =	wrdreg s4  }
0xb6: {  	[dreg:$0x3] =	wrdreg s16  }
0xb7: {  	[dreg:$0x4] =	wrdreg s17  }
0xb8: {  	[dreg:$0x5] =	wrdreg $0x9  }
0xb9: {  	_ =	task.clear_ibuf [dreg:s9], $0x6FFFF;
	_ =	strace $0x90000046  }
0xba: {  	s29 =	simm.s32 $0x9;
	_ =	strace $0x80000048  }
0xbb: {  	_ =	swait.ge [sflag:s29], $0x1  }
0xbc: {  	[sflag:s29] =	ssyncadd.s32 $0xFFFFFFFF  }
0xbd: {  	_ =	strace $0x90000048  }
0xbe: {  	_ =	sfence  }
0xbf: {  	s30 =	sld [smem:$0x0];
	_ =	sdelay $0x2  }
0xc0: {  	s31 =	sshll.u32 s1, $0xD;
	s1 =	sshrl.u32 s1, $0x2  }
0xc1: {  	s3 =	sand.u32 $0x4000, s31;
	s1 =	sadd.s32 s1, s30  }
0xc2: {  	s0 =	sor.u32 s3, s0;
	s1 =	sshll.u32 s1, $0x11  }
0xc3: {  	s0 =	sor.u32 s1, s0  }
0xc4: {  	s0 =	sadd.s32 $0x8F2B, s0  }
0xc5: {  	[sflag:s0] =	ssyncadd.remote.s32 $0x1  }
0xc6: {  	_ =	sfence.sel $0xFFFF  }
0xc7: {  	[dreg:$0x0] =	wrdreg $0xFFFFFFFF;
	(pc) =	sbr.abs _section_cstart, $3  }
0xc8: {  	[dreg:$0x1] =	wrdreg $0xFFFFFFFF  }
0xc9: {  	_ =	task.clear_ibuf [dreg:s9], $0x2FFFF;
	_ =	strace $0x9FFFFFFF  }
0xca: {  	(tm) =	ssettm $0x7FFFFFFF  }
0xcb: {  	_ =	shalt  }
tec
execute0_lowered:
.L_overlay_start_1:
0x0: {  	(tag) =	ssettag $0x1  }
0x1: {  	s1 =	stileid.u32  }
0x2: {  	p0 =	sgt.u32 s1, $0x7  }
.Ltmp0:
0x3: {  	s2 =	rddreg [dreg:$0x0];
	(pc) =	sbr.rel @p0 .LBB2_4-.Ltmp0, $4  }
0x4: {  	s4 =	rddreg [dreg:$0x1]  }
0x5: {  	s14 =	rddreg [dreg:$0x2];
	s3 =	simm.s32 $0x0  }
0x6: {  	[smem:$0x7FF] =	sst s3  }
0x7: {  	s0 =	rddreg [dreg:$0x3];
	_ =	strace $0x80000047  }
0x8: {  	s5 =	srdreg.scid  }
0x9: {  	s30 =	sshll.u32 s1, $0x1;
	s12 =	sand.u32 $0x1, s5  }
0xa: {  	s15 =	sor.u32 s12, s30  }
0xb: {  	s5 =	sadd.s32 s4, s15;
	s4 =	simm.s32 $0x2  }
0xc: {  	[tilespmem:s3], [sflag:$0x2] =	stream.linear.gather [hbm4b:s5+s3], $0x8, $0x38;
	[tilespmem:$0x2080] =	vst v63  }
0xd: {  	_ =	swait.ge [sflag:s4], $0x8  }
0xe: {  	[sflag:s4] =	ssyncset.done $0x0  }
0xf: {  	[sflag:s4] =	ssyncadd.s32 $0xFFFFFFF8  }
0x10: {  	v0 =	vld.msk [tilespmem:$0x0], $0xff;
	_ =	sdelay $0x4  }
0x11: {  	v1 =	vshll.u32 v0, $0x3  }
0x12: {  	v2 =	vlaneseq.u32;
	v3 =	vand.u32 $0x7, v0;
	v1 =	vand.u32 $0xFFFFFFC0, v1  }
0x13: {  	v0 =	vand.u32 $0x7, v2;
	v2 =	vshrl.u32 v2, $0x3;
	v3 =	vor.u32 v3, v1  }
0x14: {  	v1 =	vmul.u32 $0x8, v2;
	v2 =	vperm.xlane v3, v0;
	_ =	sdelay $0x1  }
0x15: {  	v2 =	vadd.s32 v1, v2;
	_ =	sdelay $0x3  }
0x16: {  	vm0 =	vmmov $0xffff;
	s6 =	simm.s32 $0x80;
	s7 =	sadd.s32 $0x100, s2;
	s16 =	ssub.s32 $0x2, s12  }
0x17: {  	[tilespmem:s6], [sflag:$0x1] =	stream.indirect_vreg.gather [hbm4b:s2+s3], $0x80, v2, vm0, $0xb8;
	[tilespmem:$0x2080] =	vst v63  }
0x18: {  	s8 =	simm.s32 $0x880;
	s9 =	sadd.s32 $0x200, s2;
	s17 =	sshrl.u32 s16, $0x1  }
0x19: {  	[tilespmem:s8], [sflag:$0x1] =	stream.indirect_vreg.gather [hbm4b:s7+s3], $0x80, v2, vm0, $0xb8;
	[tilespmem:$0x2080] =	vst v63  }
0x1a: {  	s10 =	sadd.s32 $0x300, s2;
	s11 =	simm.s32 $0x1080;
	s16 =	ssub.s32 s16, s17  }
0x1b: {  	[tilespmem:s11], [sflag:$0x1] =	stream.indirect_vreg.gather [hbm4b:s9+s3], $0x80, v2, vm0, $0xb8;
	[tilespmem:$0x2080] =	vst v63  }
0x1c: {  	s13 =	simm.s32 $0x1;
	s12 =	simm.s32 $0x1880;
	s31 =	smax.u32 s16, $0x1  }
0x1d: {  	[tilespmem:s12], [sflag:$0x1] =	stream.indirect_vreg.gather [hbm4b:s10+s3], $0x80, v2, vm0, $0xb8;
	[tilespmem:$0x2080] =	vst v63  }
0x1e: {  	p0 =	sne.s32 s31, $0x1;
	_ =	swait.ge [sflag:s13], $0x2000  }
.Ltmp1:
0x1f: {  	s15 =	sshll.u32 s15, $0xA;
	[sflag:s13] =	ssyncset.done $0x0;
	(pc) =	sbr.rel @!p0 .LBB2_3-.Ltmp1, $4  }
0x20: {  	s14 =	sadd.s32 s14, s15;
	[sflag:s13] =	ssyncadd.s32 $0xFFFFE000  }
0x21: {  	[hbm4b:s14+s3] =	stream.linear.scatter [tilespmem:s6], [sflag:$0x2], $0x2000, $0x38;
	[tilespmem:$0x2080] =	vst v63  }
0x22: {  	_ =	swait.ge [sflag:s4], $0x2000  }
0x23: {  	s15 =	sadd.s32 $0xFFFFFFFF, s31;
	[sflag:s4] =	ssyncset.done $0x0  }
.LBB2_2:
0x24: {  	p0 =	sne.s32 s15, $0x1;
	s15 =	sadd.s32 $0xFFFFFFFF, s15;
	[sflag:s4] =	ssyncadd.s32 $0xFFFFE000  }
0x25: {  	[tilespmem:s3], [sflag:$0x2] =	stream.linear.gather [hbm4b:s5+s3], $0x8, $0x38;
	[tilespmem:$0x2080] =	vst v63  }
0x26: {  	_ =	swait.ge [sflag:s4], $0x8  }
0x27: {  	[sflag:s4] =	ssyncset.done $0x0  }
0x28: {  	[sflag:s4] =	ssyncadd.s32 $0xFFFFFFF8  }
0x29: {  	v2 =	vld.msk [tilespmem:$0x0], $0xff;
	_ =	sdelay $0x4  }
0x2a: {  	v3 =	vshll.u32 v2, $0x3  }
0x2b: {  	v2 =	vand.u32 $0x7, v2;
	v3 =	vand.u32 $0xFFFFFFC0, v3  }
0x2c: {  	v2 =	vor.u32 v2, v3  }
0x2d: {  	v2 =	vperm.xlane v2, v0;
	_ =	sdelay $0x1  }
0x2e: {  	v2 =	vadd.s32 v1, v2;
	_ =	sdelay $0x4  }
0x2f: {  	[tilespmem:s6], [sflag:$0x1] =	stream.indirect_vreg.gather [hbm4b:s2+s3], $0x80, v2, vm0, $0xb8;
	[tilespmem:$0x2080] =	vst v63  }
0x30: {  	_ = 	snop  }
0x31: {  	[tilespmem:s8], [sflag:$0x1] =	stream.indirect_vreg.gather [hbm4b:s7+s3], $0x80, v2, vm0, $0xb8;
	[tilespmem:$0x2080] =	vst v63  }
0x32: {  	_ = 	snop  }
0x33: {  	[tilespmem:s11], [sflag:$0x1] =	stream.indirect_vreg.gather [hbm4b:s9+s3], $0x80, v2, vm0, $0xb8;
	[tilespmem:$0x2080] =	vst v63  }
0x34: {  	_ = 	snop  }
0x35: {  	[tilespmem:s12], [sflag:$0x1] =	stream.indirect_vreg.gather [hbm4b:s10+s3], $0x80, v2, vm0, $0xb8;
	[tilespmem:$0x2080] =	vst v63  }
0x36: {  	_ =	swait.ge [sflag:s13], $0x2000  }
.Ltmp2:
0x37: {  	[sflag:s13] =	ssyncset.done $0x0;
	(pc) =	sbr.rel @p0 .LBB2_2-.Ltmp2, $4  }
0x38: {  	[sflag:s13] =	ssyncadd.s32 $0xFFFFE000  }
0x39: {  	[hbm4b:s14+s3] =	stream.linear.scatter [tilespmem:s6], [sflag:$0x2], $0x2000, $0x38;
	[tilespmem:$0x2080] =	vst v63  }
0x3a: {  	_ =	swait.ge [sflag:s4], $0x2000  }
0x3b: {  	[sflag:s4] =	ssyncset.done $0x0  }
.LBB2_3:
0x3c: {  	[sflag:s4] =	ssyncadd.s32 $0xFFFFE000  }
.LBB2_4:
0x3d: {  	_ =	sfence.sel $0x180000  }
0x3e: {  	[bflag:$0x0] =	sbarrier.arrive $0xFFFF  }
0x3f: {  	p0 =	sne.s32 s1, $0x0;
	_ =	strace $0x90000047  }
0x40: {  	s0 =	sadd.s32 @!p0 $0x100000, s0;
	[bflag:$0x2] =	sbarrier.arrive $0xFFFF  }
0x41: {  	[sflag:s0] =	ssyncadd.tile.s32 @!p0 $0x1;
	_ =	shalt  }
.Lfunc_end2:
_tile_overlayer_lowered:
.L_overlay_start_2:
0x42: {  	(tag) =	ssettag $0x2  }
0x43: {  	s0 =	rddreg [dreg:$0x0];
	s2 =	stileid.u32  }
0x44: {  	s1 =	rddreg [dreg:$0x1];
	p0 =	sne.s32 s2, $0x0  }
0x45: {  	s3 =	rddreg [dreg:$0x2];
	[bflag:$0x3] =	sbarrier.arrive $0xFFFF;
	s2 =	simm.s32 @!p0 $0x1C02  }
0x46: {  	[timem:s3], [sflag:s2] =	dma.local @!p0 [hbm:s0], s1  }
0x47: {  	s0 =	simm.s32 @!p0 $0x2  }
0x48: {  	_ =	swait.ge @!p0 [sflag:s0], s1  }
0x49: {  	s1 =	ssub.s32 @!p0 $0x0, s1;
	[sflag:s0] =	ssyncset.done @!p0 $0x0  }
0x4a: {  	[sflag:s0] =	ssyncadd.s32 @!p0 s1  }
0x4b: {  	[bflag:$0x3] =	sbarrier.arrive $0xFFFF  }
0x4c: {  	_ =	shalt  }

</sc_bundles>
